<compile_context>
chip_gen: v7x
topology: tpu7x:2x2x1
jax: 0.10.2.dev20260603
libtpu: 0.0.44.dev20260713+nightly
codegen_flags: <defaults>
</compile_context>

<pallas_src>
import functools

import jax
import jax.numpy as jnp
from jax import lax
from jax.experimental import pallas as pl
from jax.experimental.pallas import tpu as pltpu
from jax.experimental.pallas import tpu_sc as plsc

NC = 2
NS = 16
NW = NC * NS
GCH = 128
NBUF = 4
LOOKAHEAD = 2


@functools.cache
def _build(batch: int, seq: int, dim: int):
    mesh = plsc.VectorSubcoreMesh(core_axis_name="c", subcore_axis_name="s")
    rows_per_w = batch // NW
    splits = []
    off = 0
    while off < seq:
        splits.append((off, min(GCH, seq - off)))
        off += GCH

    @functools.partial(
        pl.kernel,
        out_type=jax.ShapeDtypeStruct((batch, seq, dim), jnp.float32),
        mesh=mesh,
        scratch_types=[
            pltpu.VMEM((rows_per_w, seq), jnp.int32),
            pltpu.VMEM((NBUF, seq, dim), jnp.float32),
            pltpu.SemaphoreType.DMA((NBUF,)),
            pltpu.SemaphoreType.DMA((NBUF,)),
        ],
        compiler_params=pltpu.CompilerParams(use_tc_tiling_on_sc=False),
    )
    def embed(x_hbm, table_hbm, out_hbm, idx_v, rows, gsem, ssem):
        wid = lax.axis_index("s") * NC + lax.axis_index("c")
        row0 = wid * rows_per_w
        pltpu.sync_copy(x_hbm.at[pl.ds(row0, rows_per_w)], idx_v)

        def gather_start(r, b):
            for off, n in splits:
                pltpu.async_copy(
                    table_hbm.at[idx_v.at[r, pl.ds(off, n)]],
                    rows.at[b, pl.ds(off, n)], gsem.at[b])

        def gather_wait(r, b):
            for off, n in splits:
                pltpu.make_async_copy(
                    table_hbm.at[idx_v.at[r, pl.ds(off, n)]],
                    rows.at[b, pl.ds(off, n)], gsem.at[b]).wait()

        def store_start(r, b):
            pltpu.async_copy(rows.at[b], out_hbm.at[row0 + r], ssem.at[b])

        def store_wait(b):
            pltpu.make_async_copy(rows.at[b], out_hbm.at[row0], ssem.at[b]).wait()

        for r in range(LOOKAHEAD):
            gather_start(r, r % NBUF)

        def step(r, carry):
            r_pre = r + LOOKAHEAD

            @pl.when(r_pre < rows_per_w)
            def _():
                b_pre = lax.rem(r_pre, NBUF)

                @pl.when(r_pre >= NBUF)
                def _():
                    store_wait(b_pre)

                gather_start(r_pre, b_pre)

            b = lax.rem(r, NBUF)
            gather_wait(r, b)
            store_start(r, b)
            return carry

        lax.fori_loop(0, rows_per_w, step, 0)
        for b in range(min(NBUF, rows_per_w)):
            store_wait(b)

    return embed


def kernel(x, input_embedding):
    batch, seq = x.shape
    dim = input_embedding.shape[1]
    return _build(batch, seq, dim)(x, input_embedding)

# --- scband reference (transcript-rebuilt; emitter-appended) ---
"""Pipeline reference for scband-embedder-6914897346945 (READ-ONLY COPY).

The authoritative reference and input builder live on the scoring server;
editing this copy changes nothing except your own understanding.
"""

import jax, jax.numpy as jnp
import numpy as np

VOCAB = 1000000
DIM = 64
BATCH = 1024
SEQ = 200


def setup_inputs(seed: int = 0) -> dict:
    key = jax.random.key(seed)
    k_idx, k_tbl = jax.random.split(key)
    x = jax.random.randint(k_idx, (BATCH, SEQ), 0, VOCAB, dtype=jnp.int64 if jax.config.jax_enable_x64 else jnp.int32)
    # learned parameter: embedding table, normal init as in nnx.initializers.normal()
    input_embedding = jax.random.normal(k_tbl, (VOCAB, DIM), dtype=jnp.float32) * 0.01
    return {"x": x, "input_embedding": input_embedding}


def reference(x, input_embedding):
    # Embedder.encode: gather rows of the table by token id.
    # (shard() is a no-op on CPU / empty mesh, so it is omitted.)
    out = jnp.take(input_embedding, x, axis=0)
    return out

if __name__ == "__main__":
    import jax
    _d = setup_inputs()
    print(jax.jit(kernel)(*tuple(_d.values())))

</pallas_src>

<mosaic_0001>
#map = affine_map<(d0, d1) -> (0, 0)>
#map1 = affine_map<(d0, d1) -> (0, 0, 0)>
module attributes {stable_mosaic.version = 14 : i64} {
  func.func @embed(%arg0: i32, %arg1: i32, %arg2: memref<1024x200xi32, #tpu.memory_space<hbm>>, %arg3: memref<1000000x64xf32, #tpu.memory_space<hbm>>, %arg4: memref<1024x200x64xf32, #tpu.memory_space<hbm>>, %arg5: memref<32x200xi32, #tpu.memory_space<vmem>>, %arg6: memref<4x200x64xf32, #tpu.memory_space<vmem>>, %arg7: memref<4x!tpu.dma_semaphore, #tpu.memory_space<semaphore_mem>>, %arg8: memref<4x!tpu.dma_semaphore, #tpu.memory_space<semaphore_mem>>) attributes {dimension_semantics = [#tpu.dimension_semantics<core_parallel>, #tpu.dimension_semantics<subcore_parallel>], iteration_bounds = array<i64: 2, 16>, scalar_prefetch = 0 : i64, scratch_operands = 4 : i64, tpu.core_type = #tpu.core_type<sc_vector_subcore>, window_params = [{transform_indices = #map}, {transform_indices = #map}, {transform_indices = #map1}]} {
    %mul3A = arith.constant 2 : i32
    %mul3A_0 = arith.muli %arg1, %mul3A : i32
    %add3A = arith.addi %mul3A_0, %arg0 : i32
    %mul3A_1 = arith.constant 32 : i32
    %mul3A_2 = arith.muli %add3A, %mul3A_1 : i32
    "tpu.region"() ({
      %run_scoped3A = tpu.sem_alloc : memref<!tpu.dma_semaphore, #tpu.memory_space<semaphore_mem>>
      %dma_start3A_146 = arith.constant 0 : i32
      %dma_start3A_147 = tpu.memref_slice %arg2[%mul3A_2, %dma_start3A_146] : memref<1024x200xi32, #tpu.memory_space<hbm>> -> memref<32x200xi32, #tpu.memory_space<hbm>>
      %dma_start3A_148 = arith.constant 0 : i32
      %dma_start3A_149 = tpu.memref_slice %arg2[%mul3A_2, %dma_start3A_148] : memref<1024x200xi32, #tpu.memory_space<hbm>> -> memref<32x200xi32, #tpu.memory_space<hbm>>
      tpu.enqueue_dma source(%dma_start3A_149 : memref<32x200xi32, #tpu.memory_space<hbm>>) target(%arg5 : memref<32x200xi32, #tpu.memory_space<vmem>>) target_semaphore(%run_scoped3A : memref<!tpu.dma_semaphore, #tpu.memory_space<semaphore_mem>>)
      %dma_wait3A_150 = arith.constant 0 : i32
      %dma_wait3A_151 = tpu.memref_slice %arg2[%mul3A_2, %dma_wait3A_150] : memref<1024x200xi32, #tpu.memory_space<hbm>> -> memref<32x200xi32, #tpu.memory_space<hbm>>
      %dma_wait3A_152 = arith.constant 0 : i32
      %dma_wait3A_153 = tpu.memref_slice %arg2[%mul3A_2, %dma_wait3A_152] : memref<1024x200xi32, #tpu.memory_space<hbm>> -> memref<32x200xi32, #tpu.memory_space<hbm>>
      tpu.wait_dma2 semaphore(%run_scoped3A : memref<!tpu.dma_semaphore, #tpu.memory_space<semaphore_mem>>) src(%dma_wait3A_153 : memref<32x200xi32, #tpu.memory_space<hbm>>) dst(%arg5 : memref<32x200xi32, #tpu.memory_space<vmem>>)
      tpu.yield
    }) : () -> ()
    %dma_start3A = arith.constant 0 : i32
    %dma_start3A_3 = arith.constant 0 : i32
    %dma_start3A_4 = arith.constant 0 : i32
    %dma_start3A_5 = arith.constant 0 : i32
    %dma_start3A_6 = arith.constant 0 : i32
    %dma_start3A_7 = tpu.memref_slice %arg6[%dma_start3A_3, %dma_start3A_5, %dma_start3A_6] : memref<4x200x64xf32, #tpu.memory_space<vmem>> -> memref<1x128x64xf32, #tpu.memory_space<vmem>>
    %dma_start3A_8 = tpu.memref_squeeze %dma_start3A_7 : memref<1x128x64xf32, #tpu.memory_space<vmem>> -> memref<128x64xf32, #tpu.memory_space<vmem>>
    %dma_start3A_9 = arith.constant 0 : i32
    %dma_start3A_10 = tpu.memref_slice %arg5[%dma_start3A, %dma_start3A_9] : memref<32x200xi32, #tpu.memory_space<vmem>> -> memref<1x128xi32, #tpu.memory_space<vmem>>
    %dma_start3A_11 = tpu.memref_squeeze %dma_start3A_10 : memref<1x128xi32, #tpu.memory_space<vmem>> -> memref<128xi32, #tpu.memory_space<vmem>>
    %dma_start3A_12 = arith.constant 0 : i32
    %dma_start3A_13 = arith.constant 0 : i32
    %dma_start3A_14 = tpu.memref_slice %arg3[%dma_start3A_12, %dma_start3A_13] : memref<1000000x64xf32, #tpu.memory_space<hbm>> -> memref<1000000x64xf32, #tpu.memory_space<hbm>>
    %dma_start3A_15 = tpu.memref_slice %arg7[%dma_start3A_4] : memref<4x!tpu.dma_semaphore, #tpu.memory_space<semaphore_mem>> -> memref<1x!tpu.dma_semaphore, #tpu.memory_space<semaphore_mem>>
    %dma_start3A_16 = tpu.memref_squeeze %dma_start3A_15 : memref<1x!tpu.dma_semaphore, #tpu.memory_space<semaphore_mem>> -> memref<!tpu.dma_semaphore, #tpu.memory_space<semaphore_mem>>
    tpu.enqueue_indirect_dma source(%dma_start3A_14 : memref<1000000x64xf32, #tpu.memory_space<hbm>>) target(%dma_start3A_8 : memref<128x64xf32, #tpu.memory_space<vmem>>) offsets(%dma_start3A_11 : memref<128xi32, #tpu.memory_space<vmem>>) semaphore(%dma_start3A_16 : memref<!tpu.dma_semaphore, #tpu.memory_space<semaphore_mem>>)
    %dma_start3A_17 = arith.constant 0 : i32
    %dma_start3A_18 = arith.constant 0 : i32
    %dma_start3A_19 = arith.constant 0 : i32
    %dma_start3A_20 = arith.constant 128 : i32
    %dma_start3A_21 = arith.constant 0 : i32
    %dma_start3A_22 = tpu.memref_slice %arg6[%dma_start3A_18, %dma_start3A_20, %dma_start3A_21] : memref<4x200x64xf32, #tpu.memory_space<vmem>> -> memref<1x72x64xf32, #tpu.memory_space<vmem>>
    %dma_start3A_23 = tpu.memref_squeeze %dma_start3A_22 : memref<1x72x64xf32, #tpu.memory_space<vmem>> -> memref<72x64xf32, #tpu.memory_space<vmem>>
    %dma_start3A_24 = arith.constant 128 : i32
    %dma_start3A_25 = tpu.memref_slice %arg5[%dma_start3A_17, %dma_start3A_24] : memref<32x200xi32, #tpu.memory_space<vmem>> -> memref<1x72xi32, #tpu.memory_space<vmem>>
    %dma_start3A_26 = tpu.memref_squeeze %dma_start3A_25 : memref<1x72xi32, #tpu.memory_space<vmem>> -> memref<72xi32, #tpu.memory_space<vmem>>
    %dma_start3A_27 = arith.constant 0 : i32
    %dma_start3A_28 = arith.constant 0 : i32
    %dma_start3A_29 = tpu.memref_slice %arg3[%dma_start3A_27, %dma_start3A_28] : memref<1000000x64xf32, #tpu.memory_space<hbm>> -> memref<1000000x64xf32, #tpu.memory_space<hbm>>
    %dma_start3A_30 = tpu.memref_slice %arg7[%dma_start3A_19] : memref<4x!tpu.dma_semaphore, #tpu.memory_space<semaphore_mem>> -> memref<1x!tpu.dma_semaphore, #tpu.memory_space<semaphore_mem>>
    %dma_start3A_31 = tpu.memref_squeeze %dma_start3A_30 : memref<1x!tpu.dma_semaphore, #tpu.memory_space<semaphore_mem>> -> memref<!tpu.dma_semaphore, #tpu.memory_space<semaphore_mem>>
    tpu.enqueue_indirect_dma source(%dma_start3A_29 : memref<1000000x64xf32, #tpu.memory_space<hbm>>) target(%dma_start3A_23 : memref<72x64xf32, #tpu.memory_space<vmem>>) offsets(%dma_start3A_26 : memref<72xi32, #tpu.memory_space<vmem>>) semaphore(%dma_start3A_31 : memref<!tpu.dma_semaphore, #tpu.memory_space<semaphore_mem>>)
    %dma_start3A_32 = arith.constant 1 : i32
    %dma_start3A_33 = arith.constant 1 : i32
    %dma_start3A_34 = arith.constant 1 : i32
    %dma_start3A_35 = arith.constant 0 : i32
    %dma_start3A_36 = arith.constant 0 : i32
    %dma_start3A_37 = tpu.memref_slice %arg6[%dma_start3A_33, %dma_start3A_35, %dma_start3A_36] : memref<4x200x64xf32, #tpu.memory_space<vmem>> -> memref<1x128x64xf32, #tpu.memory_space<vmem>>
    %dma_start3A_38 = tpu.memref_squeeze %dma_start3A_37 : memref<1x128x64xf32, #tpu.memory_space<vmem>> -> memref<128x64xf32, #tpu.memory_space<vmem>>
    %dma_start3A_39 = arith.constant 0 : i32
    %dma_start3A_40 = tpu.memref_slice %arg5[%dma_start3A_32, %dma_start3A_39] : memref<32x200xi32, #tpu.memory_space<vmem>> -> memref<1x128xi32, #tpu.memory_space<vmem>>
    %dma_start3A_41 = tpu.memref_squeeze %dma_start3A_40 : memref<1x128xi32, #tpu.memory_space<vmem>> -> memref<128xi32, #tpu.memory_space<vmem>>
    %dma_start3A_42 = arith.constant 0 : i32
    %dma_start3A_43 = arith.constant 0 : i32
    %dma_start3A_44 = tpu.memref_slice %arg3[%dma_start3A_42, %dma_start3A_43] : memref<1000000x64xf32, #tpu.memory_space<hbm>> -> memref<1000000x64xf32, #tpu.memory_space<hbm>>
    %dma_start3A_45 = tpu.memref_slice %arg7[%dma_start3A_34] : memref<4x!tpu.dma_semaphore, #tpu.memory_space<semaphore_mem>> -> memref<1x!tpu.dma_semaphore, #tpu.memory_space<semaphore_mem>>
    %dma_start3A_46 = tpu.memref_squeeze %dma_start3A_45 : memref<1x!tpu.dma_semaphore, #tpu.memory_space<semaphore_mem>> -> memref<!tpu.dma_semaphore, #tpu.memory_space<semaphore_mem>>
    tpu.enqueue_indirect_dma source(%dma_start3A_44 : memref<1000000x64xf32, #tpu.memory_space<hbm>>) target(%dma_start3A_38 : memref<128x64xf32, #tpu.memory_space<vmem>>) offsets(%dma_start3A_41 : memref<128xi32, #tpu.memory_space<vmem>>) semaphore(%dma_start3A_46 : memref<!tpu.dma_semaphore, #tpu.memory_space<semaphore_mem>>)
    %dma_start3A_47 = arith.constant 1 : i32
    %dma_start3A_48 = arith.constant 1 : i32
    %dma_start3A_49 = arith.constant 1 : i32
    %dma_start3A_50 = arith.constant 128 : i32
    %dma_start3A_51 = arith.constant 0 : i32
    %dma_start3A_52 = tpu.memref_slice %arg6[%dma_start3A_48, %dma_start3A_50, %dma_start3A_51] : memref<4x200x64xf32, #tpu.memory_space<vmem>> -> memref<1x72x64xf32, #tpu.memory_space<vmem>>
    %dma_start3A_53 = tpu.memref_squeeze %dma_start3A_52 : memref<1x72x64xf32, #tpu.memory_space<vmem>> -> memref<72x64xf32, #tpu.memory_space<vmem>>
    %dma_start3A_54 = arith.constant 128 : i32
    %dma_start3A_55 = tpu.memref_slice %arg5[%dma_start3A_47, %dma_start3A_54] : memref<32x200xi32, #tpu.memory_space<vmem>> -> memref<1x72xi32, #tpu.memory_space<vmem>>
    %dma_start3A_56 = tpu.memref_squeeze %dma_start3A_55 : memref<1x72xi32, #tpu.memory_space<vmem>> -> memref<72xi32, #tpu.memory_space<vmem>>
    %dma_start3A_57 = arith.constant 0 : i32
    %dma_start3A_58 = arith.constant 0 : i32
    %dma_start3A_59 = tpu.memref_slice %arg3[%dma_start3A_57, %dma_start3A_58] : memref<1000000x64xf32, #tpu.memory_space<hbm>> -> memref<1000000x64xf32, #tpu.memory_space<hbm>>
    %dma_start3A_60 = tpu.memref_slice %arg7[%dma_start3A_49] : memref<4x!tpu.dma_semaphore, #tpu.memory_space<semaphore_mem>> -> memref<1x!tpu.dma_semaphore, #tpu.memory_space<semaphore_mem>>
    %dma_start3A_61 = tpu.memref_squeeze %dma_start3A_60 : memref<1x!tpu.dma_semaphore, #tpu.memory_space<semaphore_mem>> -> memref<!tpu.dma_semaphore, #tpu.memory_space<semaphore_mem>>
    tpu.enqueue_indirect_dma source(%dma_start3A_59 : memref<1000000x64xf32, #tpu.memory_space<hbm>>) target(%dma_start3A_53 : memref<72x64xf32, #tpu.memory_space<vmem>>) offsets(%dma_start3A_56 : memref<72xi32, #tpu.memory_space<vmem>>) semaphore(%dma_start3A_61 : memref<!tpu.dma_semaphore, #tpu.memory_space<semaphore_mem>>)
    %scan3A = arith.constant 0 : i32
    %scan3A_62 = arith.constant 0 : i32
    %scan3A_63 = arith.constant 32 : i32
    %scan3A_64 = arith.addi %scan3A_62, %scan3A_63 : i32
    %scan3A_65 = arith.constant 1 : i32
    scf.for %scan3A_146 = %scan3A_62 to %scan3A_64 step %scan3A_65  : i32 {
      %add3A_147 = arith.constant 2 : i32
      %add3A_148 = arith.addi %scan3A_146, %add3A_147 : i32
      %lt3A = arith.constant 32 : i32
      %lt3A_149 = arith.cmpi slt, %add3A_148, %lt3A : i32
      %convert_element_type3A = arith.extui %lt3A_149 : i1 to i32
      %cond3A = arith.constant 0 : i32
      %cond3A_150 = arith.cmpi ne, %convert_element_type3A, %cond3A : i32
      scf.if %cond3A_150 {
        %rem3A_195 = arith.constant 4 : i32
        %rem3A_196 = arith.remsi %add3A_148, %rem3A_195 : i32
        %ge3A = arith.constant 4 : i32
        %ge3A_197 = arith.cmpi sge, %add3A_148, %ge3A : i32
        %convert_element_type3A_198 = arith.extui %ge3A_197 : i1 to i32
        %cond3A_199 = arith.constant 0 : i32
        %cond3A_200 = arith.cmpi ne, %convert_element_type3A_198, %cond3A_199 : i32
        scf.if %cond3A_200 {
          %dma_wait3A_225 = arith.constant 0 : i32
          %dma_wait3A_226 = arith.constant 0 : i32
          %dma_wait3A_227 = tpu.memref_slice %arg6[%rem3A_196, %dma_wait3A_225, %dma_wait3A_226] : memref<4x200x64xf32, #tpu.memory_space<vmem>> -> memref<1x200x64xf32, #tpu.memory_space<vmem>>
          %dma_wait3A_228 = tpu.memref_squeeze %dma_wait3A_227 : memref<1x200x64xf32, #tpu.memory_space<vmem>> -> memref<200x64xf32, #tpu.memory_space<vmem>>
          %dma_wait3A_229 = arith.constant 0 : i32
          %dma_wait3A_230 = arith.constant 0 : i32
          %dma_wait3A_231 = tpu.memref_slice %arg4[%mul3A_2, %dma_wait3A_229, %dma_wait3A_230] : memref<1024x200x64xf32, #tpu.memory_space<hbm>> -> memref<1x200x64xf32, #tpu.memory_space<hbm>>
          %dma_wait3A_232 = tpu.memref_squeeze %dma_wait3A_231 : memref<1x200x64xf32, #tpu.memory_space<hbm>> -> memref<200x64xf32, #tpu.memory_space<hbm>>
          %dma_wait3A_233 = tpu.memref_slice %arg8[%rem3A_196] : memref<4x!tpu.dma_semaphore, #tpu.memory_space<semaphore_mem>> -> memref<1x!tpu.dma_semaphore, #tpu.memory_space<semaphore_mem>>
          %dma_wait3A_234 = tpu.memref_squeeze %dma_wait3A_233 : memref<1x!tpu.dma_semaphore, #tpu.memory_space<semaphore_mem>> -> memref<!tpu.dma_semaphore, #tpu.memory_space<semaphore_mem>>
          %dma_wait3A_235 = arith.constant 0 : i32
          %dma_wait3A_236 = arith.constant 0 : i32
          %dma_wait3A_237 = tpu.memref_slice %arg4[%mul3A_2, %dma_wait3A_235, %dma_wait3A_236] : memref<1024x200x64xf32, #tpu.memory_space<hbm>> -> memref<1x200x64xf32, #tpu.memory_space<hbm>>
          %dma_wait3A_238 = tpu.memref_squeeze %dma_wait3A_237 : memref<1x200x64xf32, #tpu.memory_space<hbm>> -> memref<200x64xf32, #tpu.memory_space<hbm>>
          %dma_wait3A_239 = arith.constant 0 : i32
          %dma_wait3A_240 = arith.constant 0 : i32
          %dma_wait3A_241 = tpu.memref_slice %arg6[%rem3A_196, %dma_wait3A_239, %dma_wait3A_240] : memref<4x200x64xf32, #tpu.memory_space<vmem>> -> memref<1x200x64xf32, #tpu.memory_space<vmem>>
          %dma_wait3A_242 = tpu.memref_squeeze %dma_wait3A_241 : memref<1x200x64xf32, #tpu.memory_space<vmem>> -> memref<200x64xf32, #tpu.memory_space<vmem>>
          tpu.wait_dma2 semaphore(%dma_wait3A_234 : memref<!tpu.dma_semaphore, #tpu.memory_space<semaphore_mem>>) src(%dma_wait3A_242 : memref<200x64xf32, #tpu.memory_space<vmem>>) dst(%dma_wait3A_238 : memref<200x64xf32, #tpu.memory_space<hbm>>)
        } else {
        }
        %dma_start3A_201 = arith.constant 0 : i32
        %dma_start3A_202 = arith.constant 0 : i32
        %dma_start3A_203 = tpu.memref_slice %arg6[%rem3A_196, %dma_start3A_201, %dma_start3A_202] : memref<4x200x64xf32, #tpu.memory_space<vmem>> -> memref<1x128x64xf32, #tpu.memory_space<vmem>>
        %dma_start3A_204 = tpu.memref_squeeze %dma_start3A_203 : memref<1x128x64xf32, #tpu.memory_space<vmem>> -> memref<128x64xf32, #tpu.memory_space<vmem>>
        %dma_start3A_205 = arith.constant 0 : i32
        %dma_start3A_206 = tpu.memref_slice %arg5[%add3A_148, %dma_start3A_205] : memref<32x200xi32, #tpu.memory_space<vmem>> -> memref<1x128xi32, #tpu.memory_space<vmem>>
        %dma_start3A_207 = tpu.memref_squeeze %dma_start3A_206 : memref<1x128xi32, #tpu.memory_space<vmem>> -> memref<128xi32, #tpu.memory_space<vmem>>
        %dma_start3A_208 = arith.constant 0 : i32
        %dma_start3A_209 = arith.constant 0 : i32
        %dma_start3A_210 = tpu.memref_slice %arg3[%dma_start3A_208, %dma_start3A_209] : memref<1000000x64xf32, #tpu.memory_space<hbm>> -> memref<1000000x64xf32, #tpu.memory_space<hbm>>
        %dma_start3A_211 = tpu.memref_slice %arg7[%rem3A_196] : memref<4x!tpu.dma_semaphore, #tpu.memory_space<semaphore_mem>> -> memref<1x!tpu.dma_semaphore, #tpu.memory_space<semaphore_mem>>
        %dma_start3A_212 = tpu.memref_squeeze %dma_start3A_211 : memref<1x!tpu.dma_semaphore, #tpu.memory_space<semaphore_mem>> -> memref<!tpu.dma_semaphore, #tpu.memory_space<semaphore_mem>>
        tpu.enqueue_indirect_dma source(%dma_start3A_210 : memref<1000000x64xf32, #tpu.memory_space<hbm>>) target(%dma_start3A_204 : memref<128x64xf32, #tpu.memory_space<vmem>>) offsets(%dma_start3A_207 : memref<128xi32, #tpu.memory_space<vmem>>) semaphore(%dma_start3A_212 : memref<!tpu.dma_semaphore, #tpu.memory_space<semaphore_mem>>)
        %dma_start3A_213 = arith.constant 128 : i32
        %dma_start3A_214 = arith.constant 0 : i32
        %dma_start3A_215 = tpu.memref_slice %arg6[%rem3A_196, %dma_start3A_213, %dma_start3A_214] : memref<4x200x64xf32, #tpu.memory_space<vmem>> -> memref<1x72x64xf32, #tpu.memory_space<vmem>>
        %dma_start3A_216 = tpu.memref_squeeze %dma_start3A_215 : memref<1x72x64xf32, #tpu.memory_space<vmem>> -> memref<72x64xf32, #tpu.memory_space<vmem>>
        %dma_start3A_217 = arith.constant 128 : i32
        %dma_start3A_218 = tpu.memref_slice %arg5[%add3A_148, %dma_start3A_217] : memref<32x200xi32, #tpu.memory_space<vmem>> -> memref<1x72xi32, #tpu.memory_space<vmem>>
        %dma_start3A_219 = tpu.memref_squeeze %dma_start3A_218 : memref<1x72xi32, #tpu.memory_space<vmem>> -> memref<72xi32, #tpu.memory_space<vmem>>
        %dma_start3A_220 = arith.constant 0 : i32
        %dma_start3A_221 = arith.constant 0 : i32
        %dma_start3A_222 = tpu.memref_slice %arg3[%dma_start3A_220, %dma_start3A_221] : memref<1000000x64xf32, #tpu.memory_space<hbm>> -> memref<1000000x64xf32, #tpu.memory_space<hbm>>
        %dma_start3A_223 = tpu.memref_slice %arg7[%rem3A_196] : memref<4x!tpu.dma_semaphore, #tpu.memory_space<semaphore_mem>> -> memref<1x!tpu.dma_semaphore, #tpu.memory_space<semaphore_mem>>
        %dma_start3A_224 = tpu.memref_squeeze %dma_start3A_223 : memref<1x!tpu.dma_semaphore, #tpu.memory_space<semaphore_mem>> -> memref<!tpu.dma_semaphore, #tpu.memory_space<semaphore_mem>>
        tpu.enqueue_indirect_dma source(%dma_start3A_222 : memref<1000000x64xf32, #tpu.memory_space<hbm>>) target(%dma_start3A_216 : memref<72x64xf32, #tpu.memory_space<vmem>>) offsets(%dma_start3A_219 : memref<72xi32, #tpu.memory_space<vmem>>) semaphore(%dma_start3A_224 : memref<!tpu.dma_semaphore, #tpu.memory_space<semaphore_mem>>)
      } else {
      }
      %rem3A = arith.constant 4 : i32
      %rem3A_151 = arith.remsi %scan3A_146, %rem3A : i32
      %dma_wait3A_152 = arith.constant 0 : i32
      %dma_wait3A_153 = arith.constant 0 : i32
      %dma_wait3A_154 = tpu.memref_slice %arg6[%rem3A_151, %dma_wait3A_152, %dma_wait3A_153] : memref<4x200x64xf32, #tpu.memory_space<vmem>> -> memref<1x128x64xf32, #tpu.memory_space<vmem>>
      %dma_wait3A_155 = tpu.memref_squeeze %dma_wait3A_154 : memref<1x128x64xf32, #tpu.memory_space<vmem>> -> memref<128x64xf32, #tpu.memory_space<vmem>>
      %dma_wait3A_156 = arith.constant 0 : i32
      %dma_wait3A_157 = tpu.memref_slice %arg5[%scan3A_146, %dma_wait3A_156] : memref<32x200xi32, #tpu.memory_space<vmem>> -> memref<1x128xi32, #tpu.memory_space<vmem>>
      %dma_wait3A_158 = tpu.memref_squeeze %dma_wait3A_157 : memref<1x128xi32, #tpu.memory_space<vmem>> -> memref<128xi32, #tpu.memory_space<vmem>>
      %dma_wait3A_159 = arith.constant 0 : i32
      %dma_wait3A_160 = arith.constant 0 : i32
      %dma_wait3A_161 = tpu.memref_slice %arg3[%dma_wait3A_159, %dma_wait3A_160] : memref<1000000x64xf32, #tpu.memory_space<hbm>> -> memref<1000000x64xf32, #tpu.memory_space<hbm>>
      %dma_wait3A_162 = tpu.memref_slice %arg7[%rem3A_151] : memref<4x!tpu.dma_semaphore, #tpu.memory_space<semaphore_mem>> -> memref<1x!tpu.dma_semaphore, #tpu.memory_space<semaphore_mem>>
      %dma_wait3A_163 = tpu.memref_squeeze %dma_wait3A_162 : memref<1x!tpu.dma_semaphore, #tpu.memory_space<semaphore_mem>> -> memref<!tpu.dma_semaphore, #tpu.memory_space<semaphore_mem>>
      tpu.wait_indirect_dma semaphore(%dma_wait3A_163 : memref<!tpu.dma_semaphore, #tpu.memory_space<semaphore_mem>>) src(%dma_wait3A_161 : memref<1000000x64xf32, #tpu.memory_space<hbm>>) dst(%dma_wait3A_155 : memref<128x64xf32, #tpu.memory_space<vmem>>)
      %dma_wait3A_164 = arith.constant 128 : i32
      %dma_wait3A_165 = arith.constant 0 : i32
      %dma_wait3A_166 = tpu.memref_slice %arg6[%rem3A_151, %dma_wait3A_164, %dma_wait3A_165] : memref<4x200x64xf32, #tpu.memory_space<vmem>> -> memref<1x72x64xf32, #tpu.memory_space<vmem>>
      %dma_wait3A_167 = tpu.memref_squeeze %dma_wait3A_166 : memref<1x72x64xf32, #tpu.memory_space<vmem>> -> memref<72x64xf32, #tpu.memory_space<vmem>>
      %dma_wait3A_168 = arith.constant 128 : i32
      %dma_wait3A_169 = tpu.memref_slice %arg5[%scan3A_146, %dma_wait3A_168] : memref<32x200xi32, #tpu.memory_space<vmem>> -> memref<1x72xi32, #tpu.memory_space<vmem>>
      %dma_wait3A_170 = tpu.memref_squeeze %dma_wait3A_169 : memref<1x72xi32, #tpu.memory_space<vmem>> -> memref<72xi32, #tpu.memory_space<vmem>>
      %dma_wait3A_171 = arith.constant 0 : i32
      %dma_wait3A_172 = arith.constant 0 : i32
      %dma_wait3A_173 = tpu.memref_slice %arg3[%dma_wait3A_171, %dma_wait3A_172] : memref<1000000x64xf32, #tpu.memory_space<hbm>> -> memref<1000000x64xf32, #tpu.memory_space<hbm>>
      %dma_wait3A_174 = tpu.memref_slice %arg7[%rem3A_151] : memref<4x!tpu.dma_semaphore, #tpu.memory_space<semaphore_mem>> -> memref<1x!tpu.dma_semaphore, #tpu.memory_space<semaphore_mem>>
      %dma_wait3A_175 = tpu.memref_squeeze %dma_wait3A_174 : memref<1x!tpu.dma_semaphore, #tpu.memory_space<semaphore_mem>> -> memref<!tpu.dma_semaphore, #tpu.memory_space<semaphore_mem>>
      tpu.wait_indirect_dma semaphore(%dma_wait3A_175 : memref<!tpu.dma_semaphore, #tpu.memory_space<semaphore_mem>>) src(%dma_wait3A_173 : memref<1000000x64xf32, #tpu.memory_space<hbm>>) dst(%dma_wait3A_167 : memref<72x64xf32, #tpu.memory_space<vmem>>)
      %add3A_176 = arith.addi %mul3A_2, %scan3A_146 : i32
      %dma_start3A_177 = arith.constant 0 : i32
      %dma_start3A_178 = arith.constant 0 : i32
      %dma_start3A_179 = tpu.memref_slice %arg6[%rem3A_151, %dma_start3A_177, %dma_start3A_178] : memref<4x200x64xf32, #tpu.memory_space<vmem>> -> memref<1x200x64xf32, #tpu.memory_space<vmem>>
      %dma_start3A_180 = tpu.memref_squeeze %dma_start3A_179 : memref<1x200x64xf32, #tpu.memory_space<vmem>> -> memref<200x64xf32, #tpu.memory_space<vmem>>
      %dma_start3A_181 = arith.constant 0 : i32
      %dma_start3A_182 = arith.constant 0 : i32
      %dma_start3A_183 = tpu.memref_slice %arg4[%add3A_176, %dma_start3A_181, %dma_start3A_182] : memref<1024x200x64xf32, #tpu.memory_space<hbm>> -> memref<1x200x64xf32, #tpu.memory_space<hbm>>
      %dma_start3A_184 = tpu.memref_squeeze %dma_start3A_183 : memref<1x200x64xf32, #tpu.memory_space<hbm>> -> memref<200x64xf32, #tpu.memory_space<hbm>>
      %dma_start3A_185 = tpu.memref_slice %arg8[%rem3A_151] : memref<4x!tpu.dma_semaphore, #tpu.memory_space<semaphore_mem>> -> memref<1x!tpu.dma_semaphore, #tpu.memory_space<semaphore_mem>>
      %dma_start3A_186 = tpu.memref_squeeze %dma_start3A_185 : memref<1x!tpu.dma_semaphore, #tpu.memory_space<semaphore_mem>> -> memref<!tpu.dma_semaphore, #tpu.memory_space<semaphore_mem>>
      %dma_start3A_187 = arith.constant 0 : i32
      %dma_start3A_188 = arith.constant 0 : i32
      %dma_start3A_189 = tpu.memref_slice %arg4[%add3A_176, %dma_start3A_187, %dma_start3A_188] : memref<1024x200x64xf32, #tpu.memory_space<hbm>> -> memref<1x200x64xf32, #tpu.memory_space<hbm>>
      %dma_start3A_190 = tpu.memref_squeeze %dma_start3A_189 : memref<1x200x64xf32, #tpu.memory_space<hbm>> -> memref<200x64xf32, #tpu.memory_space<hbm>>
      %dma_start3A_191 = arith.constant 0 : i32
      %dma_start3A_192 = arith.constant 0 : i32
      %dma_start3A_193 = tpu.memref_slice %arg6[%rem3A_151, %dma_start3A_191, %dma_start3A_192] : memref<4x200x64xf32, #tpu.memory_space<vmem>> -> memref<1x200x64xf32, #tpu.memory_space<vmem>>
      %dma_start3A_194 = tpu.memref_squeeze %dma_start3A_193 : memref<1x200x64xf32, #tpu.memory_space<vmem>> -> memref<200x64xf32, #tpu.memory_space<vmem>>
      tpu.enqueue_dma source(%dma_start3A_194 : memref<200x64xf32, #tpu.memory_space<vmem>>) target(%dma_start3A_190 : memref<200x64xf32, #tpu.memory_space<hbm>>) target_semaphore(%dma_start3A_186 : memref<!tpu.dma_semaphore, #tpu.memory_space<semaphore_mem>>)
    }
    %scan3A_66 = arith.constant 32 : i32
    %dma_wait3A = arith.constant 0 : i32
    %dma_wait3A_67 = arith.constant 0 : i32
    %dma_wait3A_68 = arith.constant 0 : i32
    %dma_wait3A_69 = arith.constant 0 : i32
    %dma_wait3A_70 = tpu.memref_slice %arg6[%dma_wait3A, %dma_wait3A_68, %dma_wait3A_69] : memref<4x200x64xf32, #tpu.memory_space<vmem>> -> memref<1x200x64xf32, #tpu.memory_space<vmem>>
    %dma_wait3A_71 = tpu.memref_squeeze %dma_wait3A_70 : memref<1x200x64xf32, #tpu.memory_space<vmem>> -> memref<200x64xf32, #tpu.memory_space<vmem>>
    %dma_wait3A_72 = arith.constant 0 : i32
    %dma_wait3A_73 = arith.constant 0 : i32
    %dma_wait3A_74 = tpu.memref_slice %arg4[%mul3A_2, %dma_wait3A_72, %dma_wait3A_73] : memref<1024x200x64xf32, #tpu.memory_space<hbm>> -> memref<1x200x64xf32, #tpu.memory_space<hbm>>
    %dma_wait3A_75 = tpu.memref_squeeze %dma_wait3A_74 : memref<1x200x64xf32, #tpu.memory_space<hbm>> -> memref<200x64xf32, #tpu.memory_space<hbm>>
    %dma_wait3A_76 = tpu.memref_slice %arg8[%dma_wait3A_67] : memref<4x!tpu.dma_semaphore, #tpu.memory_space<semaphore_mem>> -> memref<1x!tpu.dma_semaphore, #tpu.memory_space<semaphore_mem>>
    %dma_wait3A_77 = tpu.memref_squeeze %dma_wait3A_76 : memref<1x!tpu.dma_semaphore, #tpu.memory_space<semaphore_mem>> -> memref<!tpu.dma_semaphore, #tpu.memory_space<semaphore_mem>>
    %dma_wait3A_78 = arith.constant 0 : i32
    %dma_wait3A_79 = arith.constant 0 : i32
    %dma_wait3A_80 = tpu.memref_slice %arg4[%mul3A_2, %dma_wait3A_78, %dma_wait3A_79] : memref<1024x200x64xf32, #tpu.memory_space<hbm>> -> memref<1x200x64xf32, #tpu.memory_space<hbm>>
    %dma_wait3A_81 = tpu.memref_squeeze %dma_wait3A_80 : memref<1x200x64xf32, #tpu.memory_space<hbm>> -> memref<200x64xf32, #tpu.memory_space<hbm>>
    %dma_wait3A_82 = arith.constant 0 : i32
    %dma_wait3A_83 = arith.constant 0 : i32
    %dma_wait3A_84 = tpu.memref_slice %arg6[%dma_wait3A, %dma_wait3A_82, %dma_wait3A_83] : memref<4x200x64xf32, #tpu.memory_space<vmem>> -> memref<1x200x64xf32, #tpu.memory_space<vmem>>
    %dma_wait3A_85 = tpu.memref_squeeze %dma_wait3A_84 : memref<1x200x64xf32, #tpu.memory_space<vmem>> -> memref<200x64xf32, #tpu.memory_space<vmem>>
    tpu.wait_dma2 semaphore(%dma_wait3A_77 : memref<!tpu.dma_semaphore, #tpu.memory_space<semaphore_mem>>) src(%dma_wait3A_85 : memref<200x64xf32, #tpu.memory_space<vmem>>) dst(%dma_wait3A_81 : memref<200x64xf32, #tpu.memory_space<hbm>>)
    %dma_wait3A_86 = arith.constant 1 : i32
    %dma_wait3A_87 = arith.constant 1 : i32
    %dma_wait3A_88 = arith.constant 0 : i32
    %dma_wait3A_89 = arith.constant 0 : i32
    %dma_wait3A_90 = tpu.memref_slice %arg6[%dma_wait3A_86, %dma_wait3A_88, %dma_wait3A_89] : memref<4x200x64xf32, #tpu.memory_space<vmem>> -> memref<1x200x64xf32, #tpu.memory_space<vmem>>
    %dma_wait3A_91 = tpu.memref_squeeze %dma_wait3A_90 : memref<1x200x64xf32, #tpu.memory_space<vmem>> -> memref<200x64xf32, #tpu.memory_space<vmem>>
    %dma_wait3A_92 = arith.constant 0 : i32
    %dma_wait3A_93 = arith.constant 0 : i32
    %dma_wait3A_94 = tpu.memref_slice %arg4[%mul3A_2, %dma_wait3A_92, %dma_wait3A_93] : memref<1024x200x64xf32, #tpu.memory_space<hbm>> -> memref<1x200x64xf32, #tpu.memory_space<hbm>>
    %dma_wait3A_95 = tpu.memref_squeeze %dma_wait3A_94 : memref<1x200x64xf32, #tpu.memory_space<hbm>> -> memref<200x64xf32, #tpu.memory_space<hbm>>
    %dma_wait3A_96 = tpu.memref_slice %arg8[%dma_wait3A_87] : memref<4x!tpu.dma_semaphore, #tpu.memory_space<semaphore_mem>> -> memref<1x!tpu.dma_semaphore, #tpu.memory_space<semaphore_mem>>
    %dma_wait3A_97 = tpu.memref_squeeze %dma_wait3A_96 : memref<1x!tpu.dma_semaphore, #tpu.memory_space<semaphore_mem>> -> memref<!tpu.dma_semaphore, #tpu.memory_space<semaphore_mem>>
    %dma_wait3A_98 = arith.constant 0 : i32
    %dma_wait3A_99 = arith.constant 0 : i32
    %dma_wait3A_100 = tpu.memref_slice %arg4[%mul3A_2, %dma_wait3A_98, %dma_wait3A_99] : memref<1024x200x64xf32, #tpu.memory_space<hbm>> -> memref<1x200x64xf32, #tpu.memory_space<hbm>>
    %dma_wait3A_101 = tpu.memref_squeeze %dma_wait3A_100 : memref<1x200x64xf32, #tpu.memory_space<hbm>> -> memref<200x64xf32, #tpu.memory_space<hbm>>
    %dma_wait3A_102 = arith.constant 0 : i32
    %dma_wait3A_103 = arith.constant 0 : i32
    %dma_wait3A_104 = tpu.memref_slice %arg6[%dma_wait3A_86, %dma_wait3A_102, %dma_wait3A_103] : memref<4x200x64xf32, #tpu.memory_space<vmem>> -> memref<1x200x64xf32, #tpu.memory_space<vmem>>
    %dma_wait3A_105 = tpu.memref_squeeze %dma_wait3A_104 : memref<1x200x64xf32, #tpu.memory_space<vmem>> -> memref<200x64xf32, #tpu.memory_space<vmem>>
    tpu.wait_dma2 semaphore(%dma_wait3A_97 : memref<!tpu.dma_semaphore, #tpu.memory_space<semaphore_mem>>) src(%dma_wait3A_105 : memref<200x64xf32, #tpu.memory_space<vmem>>) dst(%dma_wait3A_101 : memref<200x64xf32, #tpu.memory_space<hbm>>)
    %dma_wait3A_106 = arith.constant 2 : i32
    %dma_wait3A_107 = arith.constant 2 : i32
    %dma_wait3A_108 = arith.constant 0 : i32
    %dma_wait3A_109 = arith.constant 0 : i32
    %dma_wait3A_110 = tpu.memref_slice %arg6[%dma_wait3A_106, %dma_wait3A_108, %dma_wait3A_109] : memref<4x200x64xf32, #tpu.memory_space<vmem>> -> memref<1x200x64xf32, #tpu.memory_space<vmem>>
    %dma_wait3A_111 = tpu.memref_squeeze %dma_wait3A_110 : memref<1x200x64xf32, #tpu.memory_space<vmem>> -> memref<200x64xf32, #tpu.memory_space<vmem>>
    %dma_wait3A_112 = arith.constant 0 : i32
    %dma_wait3A_113 = arith.constant 0 : i32
    %dma_wait3A_114 = tpu.memref_slice %arg4[%mul3A_2, %dma_wait3A_112, %dma_wait3A_113] : memref<1024x200x64xf32, #tpu.memory_space<hbm>> -> memref<1x200x64xf32, #tpu.memory_space<hbm>>
    %dma_wait3A_115 = tpu.memref_squeeze %dma_wait3A_114 : memref<1x200x64xf32, #tpu.memory_space<hbm>> -> memref<200x64xf32, #tpu.memory_space<hbm>>
    %dma_wait3A_116 = tpu.memref_slice %arg8[%dma_wait3A_107] : memref<4x!tpu.dma_semaphore, #tpu.memory_space<semaphore_mem>> -> memref<1x!tpu.dma_semaphore, #tpu.memory_space<semaphore_mem>>
    %dma_wait3A_117 = tpu.memref_squeeze %dma_wait3A_116 : memref<1x!tpu.dma_semaphore, #tpu.memory_space<semaphore_mem>> -> memref<!tpu.dma_semaphore, #tpu.memory_space<semaphore_mem>>
    %dma_wait3A_118 = arith.constant 0 : i32
    %dma_wait3A_119 = arith.constant 0 : i32
    %dma_wait3A_120 = tpu.memref_slice %arg4[%mul3A_2, %dma_wait3A_118, %dma_wait3A_119] : memref<1024x200x64xf32, #tpu.memory_space<hbm>> -> memref<1x200x64xf32, #tpu.memory_space<hbm>>
    %dma_wait3A_121 = tpu.memref_squeeze %dma_wait3A_120 : memref<1x200x64xf32, #tpu.memory_space<hbm>> -> memref<200x64xf32, #tpu.memory_space<hbm>>
    %dma_wait3A_122 = arith.constant 0 : i32
    %dma_wait3A_123 = arith.constant 0 : i32
    %dma_wait3A_124 = tpu.memref_slice %arg6[%dma_wait3A_106, %dma_wait3A_122, %dma_wait3A_123] : memref<4x200x64xf32, #tpu.memory_space<vmem>> -> memref<1x200x64xf32, #tpu.memory_space<vmem>>
    %dma_wait3A_125 = tpu.memref_squeeze %dma_wait3A_124 : memref<1x200x64xf32, #tpu.memory_space<vmem>> -> memref<200x64xf32, #tpu.memory_space<vmem>>
    tpu.wait_dma2 semaphore(%dma_wait3A_117 : memref<!tpu.dma_semaphore, #tpu.memory_space<semaphore_mem>>) src(%dma_wait3A_125 : memref<200x64xf32, #tpu.memory_space<vmem>>) dst(%dma_wait3A_121 : memref<200x64xf32, #tpu.memory_space<hbm>>)
    %dma_wait3A_126 = arith.constant 3 : i32
    %dma_wait3A_127 = arith.constant 3 : i32
    %dma_wait3A_128 = arith.constant 0 : i32
    %dma_wait3A_129 = arith.constant 0 : i32
    %dma_wait3A_130 = tpu.memref_slice %arg6[%dma_wait3A_126, %dma_wait3A_128, %dma_wait3A_129] : memref<4x200x64xf32, #tpu.memory_space<vmem>> -> memref<1x200x64xf32, #tpu.memory_space<vmem>>
    %dma_wait3A_131 = tpu.memref_squeeze %dma_wait3A_130 : memref<1x200x64xf32, #tpu.memory_space<vmem>> -> memref<200x64xf32, #tpu.memory_space<vmem>>
    %dma_wait3A_132 = arith.constant 0 : i32
    %dma_wait3A_133 = arith.constant 0 : i32
    %dma_wait3A_134 = tpu.memref_slice %arg4[%mul3A_2, %dma_wait3A_132, %dma_wait3A_133] : memref<1024x200x64xf32, #tpu.memory_space<hbm>> -> memref<1x200x64xf32, #tpu.memory_space<hbm>>
    %dma_wait3A_135 = tpu.memref_squeeze %dma_wait3A_134 : memref<1x200x64xf32, #tpu.memory_space<hbm>> -> memref<200x64xf32, #tpu.memory_space<hbm>>
    %dma_wait3A_136 = tpu.memref_slice %arg8[%dma_wait3A_127] : memref<4x!tpu.dma_semaphore, #tpu.memory_space<semaphore_mem>> -> memref<1x!tpu.dma_semaphore, #tpu.memory_space<semaphore_mem>>
    %dma_wait3A_137 = tpu.memref_squeeze %dma_wait3A_136 : memref<1x!tpu.dma_semaphore, #tpu.memory_space<semaphore_mem>> -> memref<!tpu.dma_semaphore, #tpu.memory_space<semaphore_mem>>
    %dma_wait3A_138 = arith.constant 0 : i32
    %dma_wait3A_139 = arith.constant 0 : i32
    %dma_wait3A_140 = tpu.memref_slice %arg4[%mul3A_2, %dma_wait3A_138, %dma_wait3A_139] : memref<1024x200x64xf32, #tpu.memory_space<hbm>> -> memref<1x200x64xf32, #tpu.memory_space<hbm>>
    %dma_wait3A_141 = tpu.memref_squeeze %dma_wait3A_140 : memref<1x200x64xf32, #tpu.memory_space<hbm>> -> memref<200x64xf32, #tpu.memory_space<hbm>>
    %dma_wait3A_142 = arith.constant 0 : i32
    %dma_wait3A_143 = arith.constant 0 : i32
    %dma_wait3A_144 = tpu.memref_slice %arg6[%dma_wait3A_126, %dma_wait3A_142, %dma_wait3A_143] : memref<4x200x64xf32, #tpu.memory_space<vmem>> -> memref<1x200x64xf32, #tpu.memory_space<vmem>>
    %dma_wait3A_145 = tpu.memref_squeeze %dma_wait3A_144 : memref<1x200x64xf32, #tpu.memory_space<vmem>> -> memref<200x64xf32, #tpu.memory_space<vmem>>
    tpu.wait_dma2 semaphore(%dma_wait3A_137 : memref<!tpu.dma_semaphore, #tpu.memory_space<semaphore_mem>>) src(%dma_wait3A_145 : memref<200x64xf32, #tpu.memory_space<vmem>>) dst(%dma_wait3A_141 : memref<200x64xf32, #tpu.memory_space<hbm>>)
    return
  }
}

</mosaic_0001>

<sc_bundles>
// kernel: kernel.3.cloned.1.call-start
scs
__scs_entry_jumppad:
0x0: {  	(pc) =	sbr.rel $0x88, $3  }
0x1: {  	(tag) =	ssettag $0x0;
	lr =	simm.s32 $0x1  }
0x2: {  	[smem:$0x3F9F] =	sst lr;
	_ =	strace $0xD0000000  }
0x3: {  	_ = 	snop  }
0x4: {  	_ = 	snop  }
0x5: {  	_ = 	snop  }
0x6: {  	_ = 	snop  }
0x7: {  	_ = 	snop  }
__scs_overlays_trampoline_lowered:
0x8: {  	[smem:$0x3FAE] =	sst s0  }
0x9: {  	[smem:$0x3FAF] =	sst s1  }
0xa: {  	[smem:$0x3FB0] =	sst s2  }
0xb: {  	[smem:$0x3FB1] =	sst s3  }
0xc: {  	[smem:$0x3FB2] =	sst s4  }
0xd: {  	[smem:$0x3FB3] =	sst s5  }
0xe: {  	[smem:$0x3FB4] =	sst s6  }
0xf: {  	[smem:$0x3FB5] =	sst s7  }
0x10: {  	[smem:$0x3FB6] =	sst s8  }
0x11: {  	[smem:$0x3FB7] =	sst s9;
	s0 =	simm.s32 @!p0 $0x0  }
0x12: {  	s1 =	sld [smem:$0x3F9D];
	s0 =	simm.s32 @p0 $0x1  }
0x13: {  	[smem:$0x3FB8] =	sst s0;
	s0 =	simm.s32 @!p1 $0x0  }
0x14: {  	s2 =	sld [smem:$0x3F9C];
	s0 =	simm.s32 @p1 $0x1  }
0x15: {  	[smem:$0x3FB9] =	sst s0;
	s0 =	simm.s32 @!p2 $0x0  }
0x16: {  	s3 =	sld [smem:$0x3FDB];
	s0 =	simm.s32 @p2 $0x1  }
0x17: {  	s4 =	simm.s32 $0x1BF5;
	[smem:$0x3FBB] =	sst s0  }
0x18: {  	s0 =	sld [smem:$0x3F9E];
	_ =	swait.ge [sflag:s4], $0x0  }
0x19: {  	s7 =	sld [smem:$0x3F9F]  }
0x1a: {  	s8 =	sadd.s32 $0xFFFFE003, lr  }
0x1b: {  	s9 =	sadd.s32 $0xFFFFFEF7, lr;
	s5 =	simm.s32 $0xFFFFFFFF;
	p2 =	slt.u32 s8, $0xFFFFF086  }
0x1c: {  	p1 =	slt.u32 s9, $0xF7A;
	s5 =	simm.s32 @!p2 $0x0  }
0x1d: {  	s5 =	simm.s32 @p1 $0x1;
	p0 =	seq.s32 s7, s2  }
0x1e: {  	s7 =	smul.u32 @!p0 $0xF7A, s2;
	p2 =	seq.s32 @!p0 s5, $0x0  }
0x1f: {  	s9 =	smul.u32 $0xF7A, s1;
	s8 =	simm.s32 @!p0 $0x1BF5;
	p2 =	por !p2, p0  }
0x20: {  	[sflag:s8] =	ssyncset.s32 @!p0 $0xFFFFF086;
	s6 =	sadd.s32 @!p0 s3, s7;
	s7 =	simm.s32 @!p0 $0x108  }
0x21: {  	s3 =	sadd.s32 s3, s9;
	s6 =	sadd.s32 @!p0 $0x88, s6;
	s7 =	simm.s32 @p2 $0x1082  }
0x22: {  	[simem:s7], [sflag:s8] =	dma.local @!p0 [hbm:s6], $0xF7A  }
0x23: {  	s9 =	sor.u32 $0xD0000000, s2;
	s6 =	simm.s32 $0x108;
	_ =	swait.ge @!p0 [sflag:s8], $0x0  }
0x24: {  	s3 =	sadd.s32 $0x88, s3;
	s6 =	simm.s32 @!p1 $0x1082;
	[sflag:s4] =	ssyncset.s32 $0xFFFFF086  }
0x25: {  	[simem:s6], [sflag:s4] =	dma.local [hbm:s3], $0xF7A  }
0x26: {  	[smem:$0x3F9F] =	sst s1;
	(tag) =	ssettag s2;
	_ =	strace s9  }
0x27: {  	s1 =	sld [smem:$0x3FAF]  }
0x28: {  	s2 =	sld [smem:$0x3FB0]  }
0x29: {  	s4 =	sld [smem:$0x3FB2]  }
0x2a: {  	p0 =	seq.s32 s5, $0x0;
	s5 =	sld [smem:$0x3FB3]  }
0x2b: {  	s6 =	sld [smem:$0x3FB4]  }
0x2c: {  	s7 =	sld [smem:$0x3FB5]  }
0x2d: {  	s3 =	simm.s32 $0x108;
	s8 =	sld [smem:$0x3FB6]  }
0x2e: {  	s3 =	simm.s32 @!p0 $0x1082;
	s9 =	sld [smem:$0x3FB7]  }
0x2f: {  	lr =	sadd.s32 s0, s3;
	s0 =	sld [smem:$0x3FAE]  }
0x30: {  	s3 =	sld [smem:$0x3FB1]  }
0x31: {  	[smem:$0x3FBA] =	sst s10  }
0x32: {  	s10 =	sld [smem:$0x3FB8];
	_ =	sdelay $0x3  }
0x33: {  	p0 =	seq.s32 s10, $0x1;
	s10 =	sld [smem:$0x3FBA];
	_ =	sdelay $0x3  }
0x34: {  	[smem:$0x3FBA] =	sst s10  }
0x35: {  	s10 =	sld [smem:$0x3FB9];
	_ =	sdelay $0x3  }
0x36: {  	p1 =	seq.s32 s10, $0x1;
	s10 =	sld [smem:$0x3FBA];
	_ =	sdelay $0x3  }
0x37: {  	[smem:$0x3FBA] =	sst s10  }
0x38: {  	s10 =	sld [smem:$0x3FBB]  }
0x39: {  	_ = 	snop;
	(pc) =	sbr.ind lr, $3  }
0x3a: {  	_ = 	snop  }
0x3b: {  	_ = 	snop  }
0x3c: {  	p2 =	seq.s32 s10, $0x1;
	s10 =	sld [smem:$0x3FBA]  }
0x3d: {  	_ =	shalt  }
0x3e: {  	_ =	shalt  }
0x3f: {  	_ =	shalt  }
0x40: {  	_ =	shalt  }
0x41: {  	_ =	shalt  }
0x42: {  	_ =	shalt  }
0x43: {  	_ =	shalt  }
0x44: {  	_ =	shalt  }
0x45: {  	_ =	shalt  }
0x46: {  	_ =	shalt  }
0x47: {  	_ =	shalt  }
0x48: {  	_ =	shalt  }
0x49: {  	_ =	shalt  }
0x4a: {  	_ =	shalt  }
0x4b: {  	_ =	shalt  }
0x4c: {  	_ =	shalt  }
0x4d: {  	_ =	shalt  }
0x4e: {  	_ =	shalt  }
0x4f: {  	_ =	shalt  }
0x50: {  	_ =	shalt  }
0x51: {  	_ =	shalt  }
0x52: {  	_ =	shalt  }
0x53: {  	_ =	shalt  }
0x54: {  	_ =	shalt  }
0x55: {  	_ =	shalt  }
0x56: {  	_ =	shalt  }
0x57: {  	_ =	shalt  }
0x58: {  	_ =	shalt  }
0x59: {  	_ =	shalt  }
0x5a: {  	_ =	shalt  }
0x5b: {  	_ =	shalt  }
0x5c: {  	_ =	shalt  }
0x5d: {  	_ =	shalt  }
0x5e: {  	_ =	shalt  }
0x5f: {  	_ =	shalt  }
0x60: {  	_ =	shalt  }
0x61: {  	_ =	shalt  }
0x62: {  	_ =	shalt  }
0x63: {  	_ =	shalt  }
0x64: {  	_ =	shalt  }
0x65: {  	_ =	shalt  }
0x66: {  	_ =	shalt  }
0x67: {  	_ =	shalt  }
0x68: {  	_ =	shalt  }
0x69: {  	_ =	shalt  }
0x6a: {  	_ =	shalt  }
0x6b: {  	_ =	shalt  }
0x6c: {  	_ =	shalt  }
0x6d: {  	_ =	shalt  }
0x6e: {  	_ =	shalt  }
0x6f: {  	_ =	shalt  }
0x70: {  	_ =	shalt  }
0x71: {  	_ =	shalt  }
0x72: {  	_ =	shalt  }
0x73: {  	_ =	shalt  }
0x74: {  	_ =	shalt  }
0x75: {  	_ =	shalt  }
0x76: {  	_ =	shalt  }
0x77: {  	_ =	shalt  }
0x78: {  	_ =	shalt  }
0x79: {  	_ =	shalt  }
0x7a: {  	_ =	shalt  }
0x7b: {  	_ =	shalt  }
0x7c: {  	_ =	shalt  }
0x7d: {  	_ =	shalt  }
0x7e: {  	_ =	shalt  }
0x7f: {  	_ =	shalt  }
0x80: {  	_ =	shalt  }
0x81: {  	_ =	shalt  }
0x82: {  	_ =	shalt  }
0x83: {  	_ =	shalt  }
0x84: {  	_ =	shalt  }
0x85: {  	_ =	shalt  }
0x86: {  	_ =	shalt  }
0x87: {  	_ =	shalt  }
.Lfunc_end0:
.L_simem_size_0:
called_computation.1_lowered:
.L_overlay_start_0:
0x88: {  	s2 =	sld [smem:$0x3FD9]  }
0x89: {  	s3 =	sld [smem:$0x3FFE];
	_ =	sdelay $0x1  }
0x8a: {  	s1 =	srdreg.scid  }
0x8b: {  	s0 =	sand.u32 $0x1, s1  }
0x8c: {  	s17 =	sshll.u32 s0, $0xA;
	s2 =	sadd.s32 s3, s2  }
0x8d: {  	s2 =	sadd.s32 s2, s17  }
0x8e: {  	[smem:$0x3FC6] =	sst s2  }
0x8f: {  	_ = 	snop  }
0x90: {  	s2 =	sld [smem:$0x3FD0];
	(tm) =	ssettm $0x1  }
0x91: {  	s18 =	sld [smem:$0x3FFB];
	_ =	sdelay $0x3  }
0x92: {  	_ =	strace s18  }
0x93: {  	s3 =	sld [smem:$0x3FFC];
	_ =	sdelay $0x3  }
0x94: {  	_ =	strace s3  }
0x95: {  	s3 =	sld [smem:$0x3FFD];
	_ =	sdelay $0x3  }
0x96: {  	_ =	strace s3  }
0x97: {  	_ =	strace $0x8FFFFFFF  }
0x98: {  	s19 =	sld [smem:$0x3FDB];
	_ =	sdelay $0x1  }
0x99: {  	s4 =	simm.s32 $_scs_section_size  }
0x9a: {  	s5 =	simm.s32 $_size__tile_overlayer_lowered;
	s6 =	simm.s32 $_tile_overlayer_lowered  }
0x9b: {  	s22 =	simm.s32 $0x1BFF;
	s21 =	sshll.u32 s6, $0x1;
	s3 =	sadd.s32 s4, s19  }
0x9c: {  	s7 =	simm.s32 $0x0;
	s20 =	sshll.u32 s5, $0x1;
	s5 =	sadd.s32 s21, s3  }
0x9d: {  	[timem:s7], [sflag:s22] =	dma.local [hbm:s5], s20  }
0x9e: {  	_ =	swait.ge [sflag:s22], s20  }
0x9f: {  	s4 =	ssub.s32 $0x0, s20;
	[sflag:s22] =	ssyncset.done $0x0  }
0xa0: {  	[sflag:s22] =	ssyncadd.s32 s4;
	_ =	sdelay $0x1  }
0xa1: {  	s23 =	simm.s32 $0x1B8B  }
0xa2: {  	_ =	swait.ge [sflag:s23], $0x1  }
0xa3: {  	[sflag:s23] =	ssyncset.done $0x0  }
0xa4: {  	s25 =	simm.s32 $0x1B8E;
	s24 =	sld [smem:$0x3FFE];
	[sflag:s23] =	ssyncadd.s32 $0xFFFFFFFF  }
0xa5: {  	s26 =	simm.s32 $execute0_lowered;
	[smem:$0x3FD2] =	sst s25  }
0xa6: {  	s5 =	sshll.u32 s26, $0x1;
	_ =	strace $0x80000046;
	[dreg:$0x1] =	wrdreg $0xFFFFFFFF  }
0xa7: {  	s28 =	simm.s32 $_size_execute0_lowered;
	s3 =	sadd.s32 s3, s5;
	[dreg:$0x0] =	wrdreg $0x0  }
0xa8: {  	s5 =	sshll.u32 s28, $0x1;
	[dreg:$0x2] =	wrdreg s3  }
0xa9: {  	[dreg:$0x3] =	wrdreg s5  }
0xaa: {  	[dreg:$0x4] =	wrdreg $0xC0  }
0xab: {  	_ =	task [dreg:s7], $0x5FFFF  }
0xac: {  	[dreg:$0x1] =	wrdreg $0xFFFFFFFF  }
0xad: {  	[dreg:$0x0] =	wrdreg $0x60  }
0xae: {  	[dreg:$0x2] =	wrdreg s24  }
0xaf: {  	[dreg:$0x3] =	wrdreg s2  }
0xb0: {  	[dreg:$0x4] =	wrdreg $0x9  }
0xb1: {  	_ =	task.clear_ibuf [dreg:s7], $0x5FFFF;
	_ =	strace $0x90000046  }
0xb2: {  	s29 =	simm.s32 $0x9;
	_ =	strace $0x80000048  }
0xb3: {  	_ =	swait.ge [sflag:s29], $0x1  }
0xb4: {  	[sflag:s29] =	ssyncadd.s32 $0xFFFFFFFF  }
0xb5: {  	_ =	strace $0x90000048  }
0xb6: {  	_ =	sfence  }
0xb7: {  	s30 =	sld [smem:$0x0];
	_ =	sdelay $0x2  }
0xb8: {  	s31 =	sshll.u32 s1, $0xD;
	s1 =	sshrl.u32 s1, $0x2  }
0xb9: {  	s3 =	sand.u32 $0x4000, s31;
	s1 =	sadd.s32 s1, s30  }
0xba: {  	s0 =	sor.u32 s3, s0;
	s1 =	sshll.u32 s1, $0x11  }
0xbb: {  	s0 =	sor.u32 s1, s0  }
0xbc: {  	s0 =	sadd.s32 $0x8F2B, s0  }
0xbd: {  	[sflag:s0] =	ssyncadd.remote.s32 $0x1  }
0xbe: {  	_ =	sfence.sel $0xFFFF  }
0xbf: {  	[dreg:$0x0] =	wrdreg $0xFFFFFFFF;
	(pc) =	sbr.abs _section_cstart, $3  }
0xc0: {  	[dreg:$0x1] =	wrdreg $0xFFFFFFFF  }
0xc1: {  	_ =	task.clear_ibuf [dreg:s7], $0x2FFFF;
	_ =	strace $0x9FFFFFFF  }
0xc2: {  	(tm) =	ssettm $0x7FFFFFFF  }
0xc3: {  	_ =	shalt  }
tec
execute0_lowered:
.L_overlay_start_1:
0x0: {  	(tag) =	ssettag $0x1  }
0x1: {  	s0 =	srdreg.scid  }
0x2: {  	s8 =	stileid.u32;
	s1 =	rddreg [dreg:$0x0]  }
0x3: {  	s5 =	rddreg [dreg:$0x1];
	s10 =	simm.s32 $0x80;
	s11 =	simm.s32 $0x1900  }
0x4: {  	s12 =	simm.s32 $0x48;
	s15 =	simm.s32 $0x4B00;
	s22 =	simm.s32 $0x1  }
0x5: {  	s28 =	simm.s32 $0x2;
	s29 =	simm.s32 $0x5;
	s30 =	simm.s32 $0x6  }
0x6: {  	s31 =	simm.s32 $0x7;
	s0 =	sand.u32 $0x1, s0;
	s2 =	sshll.u32 s8, $0x6  }
0x7: {  	s8 =	smul.u32 $0x19000, s8;
	s3 =	sshll.u32 s0, $0x5;
	s7 =	ssub.s32 $0x2, s0  }
0x8: {  	s0 =	smul.u32 $0xC800, s0;
	s3 =	sor.u32 s3, s2;
	s2 =	simm.s32 $0x0  }
0x9: {  	s9 =	sshrl.u32 s7, $0x1;
	s26 =	sadd.s32 s8, s5;
	s4 =	smul.u32 $0x19, s3  }
0xa: {  	[smem:$0x7FF] =	sst s2;
	s6 =	smul.u32 $0x640, s3;
	s3 =	sadd.s32 $0xF42E00, s1  }
0xb: {  	s25 =	ssub.s32 s7, s9;
	s0 =	sadd.s32 s0, s26;
	s9 =	simm.s32 $0x9  }
0xc: {  	_ =	strace $0x80000047;
	s21 =	sadd.s32 $0xC80, s0;
	s0 =	simm.s32 $0x0  }
0xd: {  	s4 =	sadd.s32 s4, s1;
	s5 =	sadd.s32 s5, s6;
	s6 =	smax.u32 s25, $0x1  }
0xe: {  	s1 =	simm.s32 $0x8;
	s4 =	sadd.s32 $0xA00, s4;
	s7 =	sadd.s32 $0x640, s5  }
.LBB2_1:
0xf: {  	[tilespmem:s2], [sflag:$0x9] =	stream.linear.gather [hbm4b:s4+s2], $0x1900, $0x38;
	[tilespmem:$0xE100] =	vst v63  }
0x10: {  	_ =	swait.ge [sflag:s9], $0x1900  }
0x11: {  	[sflag:s9] =	ssyncset.done $0x0  }
0x12: {  	[sflag:s9] =	ssyncadd.s32 $0xFFFFE700  }
0x13: {  	[tilespmem:s11], [sflag:$0x1] =	stream.indirect.gather [hbm4b:s3+s10], $0x40, s2, s10, $0xb8;
	[tilespmem:$0xE100] =	vst v63  }
0x14: {  	s8 =	simm.s32 $0x3900  }
0x15: {  	[tilespmem:s8], [sflag:$0x1] =	stream.indirect.gather [hbm4b:s3+s12], $0x40, s10, s12, $0xb8;
	[tilespmem:$0xE100] =	vst v63  }
0x16: {  	s25 =	simm.s32 $0xC8  }
0x17: {  	[tilespmem:s15], [sflag:$0x2] =	stream.indirect.gather [hbm4b:s3+s10], $0x40, s25, s10, $0xb8;
	[tilespmem:$0xE100] =	vst v63  }
0x18: {  	s26 =	simm.s32 $0x148;
	s13 =	simm.s32 $0x6B00  }
0x19: {  	[tilespmem:s13], [sflag:$0x2] =	stream.indirect.gather [hbm4b:s3+s12], $0x40, s26, s12, $0xb8;
	[tilespmem:$0xE100] =	vst v63  }
0x1a: {  	s14 =	simm.s32 $0x190;
	s16 =	simm.s32 $0x7D00  }
0x1b: {  	[tilespmem:s16], [sflag:$0x3] =	stream.indirect.gather [hbm4b:s3+s10], $0x40, s14, s10, $0xb8;
	[tilespmem:$0xE100] =	vst v63  }
0x1c: {  	s17 =	simm.s32 $0x210;
	s18 =	simm.s32 $0x9D00  }
0x1d: {  	[tilespmem:s18], [sflag:$0x3] =	stream.indirect.gather [hbm4b:s3+s12], $0x40, s17, s12, $0xb8;
	[tilespmem:$0xE100] =	vst v63  }
0x1e: {  	_ =	swait.ge [sflag:s22], $0x2000  }
0x1f: {  	[sflag:s22] =	ssyncset.done $0x0  }
0x20: {  	[sflag:s22] =	ssyncadd.s32 $0xFFFFE000  }
0x21: {  	_ =	swait.ge [sflag:s22], $0x1200  }
0x22: {  	[sflag:s22] =	ssyncset.done $0x0  }
0x23: {  	[sflag:s22] =	ssyncadd.s32 $0xFFFFEE00  }
0x24: {  	[hbm4b:s5+s2] =	stream.linear.scatter [tilespmem:s11], [sflag:$0x5], $0x3200, $0x38;
	[tilespmem:$0xE100] =	vst v63  }
0x25: {  	s19 =	simm.s32 $0x258;
	s20 =	simm.s32 $0xAF00  }
0x26: {  	[tilespmem:s20], [sflag:$0x4] =	stream.indirect.gather [hbm4b:s3+s10], $0x40, s19, s10, $0xb8;
	[tilespmem:$0xE100] =	vst v63  }
0x27: {  	s23 =	simm.s32 $0x2D8;
	s24 =	simm.s32 $0xCF00  }
0x28: {  	[tilespmem:s24], [sflag:$0x4] =	stream.indirect.gather [hbm4b:s3+s12], $0x40, s23, s12, $0xb8;
	[tilespmem:$0xE100] =	vst v63  }
0x29: {  	p0 =	por $0x0, $0x0;
	s8 =	simm.s32 $0x4;
	_ =	swait.ge [sflag:s28], $0x2000  }
0x2a: {  	s8 =	sand.u32 @!p0 $0x3, s8;
	[sflag:s28] =	ssyncset.done $0x0  }
0x2b: {  	s13 =	smul.u32 @!p0 $0xC800, s8;
	[sflag:s28] =	ssyncadd.s32 $0xFFFFE000  }
0x2c: {  	s26 =	simm.s32 $0x3;
	s14 =	simm.s32 $0x320;
	_ =	swait.ge [sflag:s28], $0x1200  }
0x2d: {  	s16 =	simm.s32 $0x2;
	s13 =	sshrl.u32 @!p0 s13, $0x2;
	[sflag:s28] =	ssyncset.done $0x0  }
0x2e: {  	s16 =	sand.u32 $0x3, s16;
	s17 =	sadd.s32 @!p0 $0x5, s8;
	[sflag:s28] =	ssyncadd.s32 $0xFFFFEE00  }
0x2f: {  	[hbm4b:s7+s2] =	stream.linear.scatter [tilespmem:s15], [sflag:$0x6], $0x3200, $0x38;
	[tilespmem:$0xE100] =	vst v63  }
0x30: {  	s18 =	sadd.s32 @!p0 $0x1900, s13;
	s13 =	sadd.s32 @!p0 $0x3900, s13;
	_ =	swait.ge @!p0 [sflag:s17], $0x3200  }
0x31: {  	s8 =	sadd.s32 @!p0 $0x1, s8;
	s25 =	smul.u32 $0xC800, s16;
	[sflag:s17] =	ssyncset.done @!p0 $0x0  }
0x32: {  	s20 =	sadd.s32 $0x1, s16;
	[sflag:s17] =	ssyncadd.s32 @!p0 $0xFFFFCE00;
	s17 =	simm.s32 @!p0 $0x80  }
0x33: {  	[tilespmem:s18], [sflag:s8] =	stream.indirect.gather @!p0 [hbm4b:s3+s17], $0x40, s14, s17, $0xb8;
	[tilespmem:$0xE100] =	vst v63  }
0x34: {  	s19 =	simm.s32 $0x6;
	s14 =	simm.s32 @!p0 $0x3A0;
	s17 =	simm.s32 @!p0 $0x48  }
0x35: {  	[tilespmem:s13], [sflag:s8] =	stream.indirect.gather @!p0 [hbm4b:s3+s17], $0x40, s14, s17, $0xb8;
	[tilespmem:$0xE100] =	vst v63  }
0x36: {  	s23 =	sshrl.u32 s25, $0x2;
	s18 =	simm.s32 $0x5;
	_ =	swait.ge [sflag:s20], $0x2000  }
0x37: {  	s17 =	sadd.s32 $0x5, s16;
	s13 =	sadd.s32 $0x640, s21;
	[sflag:s20] =	ssyncset.done $0x0  }
0x38: {  	s16 =	simm.s32 $0x3E8;
	p0 =	por $0x0, $0x0;
	[sflag:s20] =	ssyncadd.s32 $0xFFFFE000  }
0x39: {  	s14 =	sand.u32 $0x3, s26;
	s8 =	smov.u32 s21;
	_ =	swait.ge [sflag:s20], $0x1200  }
.LBB2_2:
0x3a: {  	s24 =	sand.u32 @!p0 $0x3, s18;
	[sflag:s20] =	ssyncset.done $0x0;
	s23 =	sadd.s32 $0x1900, s23  }
0x3b: {  	s18 =	smov.u32 s19;
	s19 =	sadd.s32 $0x1, s19;
	s25 =	sadd.s32 @!p0 $0x5, s24  }
0x3c: {  	s26 =	smul.u32 @!p0 $0xC800, s24;
	[sflag:s20] =	ssyncadd.s32 $0xFFFFEE00;
	p1 =	sne.s32 s19, $0x22  }
0x3d: {  	[hbm4b:s8+s2] =	stream.linear.scatter [tilespmem:s23], [sflag:s17], $0x3200, $0x38;
	[tilespmem:$0xE100] =	vst v63  }
0x3e: {  	s17 =	sadd.s32 $0x5, s14;
	_ =	swait.ge @!p0 [sflag:s25], $0x3200;
	s8 =	sshrl.u32 @!p0 s26, $0x2  }
0x3f: {  	[sflag:s25] =	ssyncset.done @!p0 $0x0;
	s20 =	sadd.s32 @!p0 $0x1900, s8;
	s8 =	sadd.s32 @!p0 $0x3900, s8  }
0x40: {  	s23 =	sadd.s32 @!p0 $0x1, s24;
	s24 =	simm.s32 @!p0 $0x80;
	[sflag:s25] =	ssyncadd.s32 @!p0 $0xFFFFCE00  }
0x41: {  	[tilespmem:s20], [sflag:s23] =	stream.indirect.gather @!p0 [hbm4b:s3+s24], $0x40, s16, s24, $0xb8;
	[tilespmem:$0xE100] =	vst v63  }
0x42: {  	s25 =	simm.s32 @!p0 $0x48;
	s24 =	sadd.s32 @!p0 $0x80, s16;
	s20 =	sadd.s32 $0x1, s14  }
0x43: {  	[tilespmem:s8], [sflag:s23] =	stream.indirect.gather @!p0 [hbm4b:s3+s25], $0x40, s24, s25, $0xb8;
	[tilespmem:$0xE100] =	vst v63  }
.Ltmp0:
0x44: {  	_ =	swait.ge [sflag:s20], $0x2000;
	(pc) =	sbr.rel @p1 .LBB2_2-.Ltmp0, $4  }
0x45: {  	s8 =	smov.u32 s13;
	[sflag:s20] =	ssyncset.done $0x0  }
0x46: {  	s23 =	smul.u32 $0xC800, s14;
	s13 =	sadd.s32 $0x640, s13;
	[sflag:s20] =	ssyncadd.s32 $0xFFFFE000  }
0x47: {  	s16 =	sadd.s32 $0xC8, s16;
	s14 =	sadd.s32 $0xFFFFFFFE, s18;
	_ =	swait.ge [sflag:s20], $0x1200  }
0x48: {  	p0 =	sgt.u32 s14, $0x1D;
	s14 =	sand.u32 $0x3, s14;
	s23 =	sshrl.u32 s23, $0x2  }
0x49: {  	s18 =	sand.u32 @!p0 $0x3, s18;
	[sflag:s20] =	ssyncset.done $0x0;
	s19 =	sadd.s32 $0x1900, s23  }
0x4a: {  	s23 =	sadd.s32 @!p0 $0x5, s18;
	s24 =	smul.u32 @!p0 $0xC800, s18;
	[sflag:s20] =	ssyncadd.s32 $0xFFFFEE00  }
0x4b: {  	[hbm4b:s8+s2] =	stream.linear.scatter [tilespmem:s19], [sflag:s17], $0x3200, $0x38;
	[tilespmem:$0xE100] =	vst v63  }
0x4c: {  	s18 =	sadd.s32 @!p0 $0x1, s18;
	_ =	swait.ge @!p0 [sflag:s23], $0x3200  }
0x4d: {  	s19 =	simm.s32 @!p0 $0x80;
	s8 =	sshrl.u32 @!p0 s24, $0x2;
	[sflag:s23] =	ssyncset.done @!p0 $0x0  }
0x4e: {  	s24 =	sadd.s32 $0x1, s14;
	s17 =	sadd.s32 @!p0 $0x1900, s8;
	[sflag:s23] =	ssyncadd.s32 @!p0 $0xFFFFCE00  }
0x4f: {  	[tilespmem:s17], [sflag:s18] =	stream.indirect.gather @!p0 [hbm4b:s3+s19], $0x40, s16, s19, $0xb8;
	[tilespmem:$0xE100] =	vst v63  }
0x50: {  	s8 =	sadd.s32 @!p0 $0x3900, s8;
	s16 =	sadd.s32 @!p0 $0x80, s16;
	s17 =	simm.s32 @!p0 $0x48  }
0x51: {  	[tilespmem:s8], [sflag:s18] =	stream.indirect.gather @!p0 [hbm4b:s3+s17], $0x40, s16, s17, $0xb8;
	[tilespmem:$0xE100] =	vst v63  }
0x52: {  	_ =	swait.ge [sflag:s24], $0x2000  }
0x53: {  	[sflag:s24] =	ssyncset.done $0x0  }
0x54: {  	s25 =	smul.u32 $0xC800, s14;
	[sflag:s24] =	ssyncadd.s32 $0xFFFFE000  }
0x55: {  	_ =	swait.ge [sflag:s24], $0x1200  }
0x56: {  	s8 =	sshrl.u32 s25, $0x2;
	[sflag:s24] =	ssyncset.done $0x0  }
0x57: {  	s26 =	sadd.s32 $0x5, s14;
	s8 =	sadd.s32 $0x1900, s8;
	[sflag:s24] =	ssyncadd.s32 $0xFFFFEE00  }
0x58: {  	[hbm4b:s13+s2] =	stream.linear.scatter [tilespmem:s8], [sflag:s26], $0x3200, $0x38;
	[tilespmem:$0xE100] =	vst v63  }
0x59: {  	_ =	swait.ge [sflag:s29], $0x3200  }
0x5a: {  	[sflag:s29] =	ssyncset.done $0x0  }
0x5b: {  	[sflag:s29] =	ssyncadd.s32 $0xFFFFCE00  }
0x5c: {  	_ =	swait.ge [sflag:s30], $0x3200  }
0x5d: {  	[sflag:s30] =	ssyncset.done $0x0  }
0x5e: {  	s0 =	sadd.s32 $0x1, s0;
	[sflag:s30] =	ssyncadd.s32 $0xFFFFCE00  }
0x5f: {  	p0 =	sne.s32 s0, s6;
	_ =	swait.ge [sflag:s31], $0x3200  }
.Ltmp1:
0x60: {  	[sflag:s31] =	ssyncset.done $0x0;
	(pc) =	sbr.rel @p0 .LBB2_1-.Ltmp1, $4  }
0x61: {  	[sflag:s31] =	ssyncadd.s32 $0xFFFFCE00  }
0x62: {  	_ =	swait.ge [sflag:s1], $0x3200  }
0x63: {  	[sflag:s1] =	ssyncset.done $0x0  }
0x64: {  	[sflag:s1] =	ssyncadd.s32 $0xFFFFCE00  }
0x65: {  	_ =	sfence.sel $0x180000  }
0x66: {  	[bflag:$0x0] =	sbarrier.arrive $0xFFFF  }
0x67: {  	_ =	strace $0x90000047  }
0x68: {  	s0 =	stileid.u32;
	[bflag:$0x2] =	sbarrier.arrive $0xFFFF  }
0x69: {  	p0 =	sne.s32 s0, $0x0;
	s0 =	rddreg [dreg:$0x2]  }
0x6a: {  	s0 =	sadd.s32 @!p0 $0x100000, s0  }
0x6b: {  	[sflag:s0] =	ssyncadd.tile.s32 @!p0 $0x1;
	_ =	shalt  }
.Lfunc_end2:
_tile_overlayer_lowered:
.L_overlay_start_2:
0x6c: {  	(tag) =	ssettag $0x2  }
0x6d: {  	s0 =	rddreg [dreg:$0x0];
	s2 =	stileid.u32  }
0x6e: {  	s1 =	rddreg [dreg:$0x1];
	p0 =	sne.s32 s2, $0x0  }
0x6f: {  	s3 =	rddreg [dreg:$0x2];
	[bflag:$0x3] =	sbarrier.arrive $0xFFFF;
	s2 =	simm.s32 @!p0 $0x1C09  }
0x70: {  	[timem:s3], [sflag:s2] =	dma.local @!p0 [hbm:s0], s1  }
0x71: {  	s0 =	simm.s32 @!p0 $0x9  }
0x72: {  	_ =	swait.ge @!p0 [sflag:s0], s1  }
0x73: {  	s1 =	ssub.s32 @!p0 $0x0, s1;
	[sflag:s0] =	ssyncset.done @!p0 $0x0  }
0x74: {  	[sflag:s0] =	ssyncadd.s32 @!p0 s1  }
0x75: {  	[bflag:$0x3] =	sbarrier.arrive $0xFFFF  }
0x76: {  	_ =	shalt  }

// kernel: sparse-core-data-format-call.cloned.1.call-start
scs
called_computation_lowered:
.L_overlay_start_0:
0x0: {  	s2 =	sld [smem:$0x3FD9]  }
0x1: {  	s3 =	sld [smem:$0x3FFE];
	_ =	sdelay $0x1  }
0x2: {  	s1 =	srdreg.scid  }
0x3: {  	s0 =	sand.u32 $0x1, s1  }
0x4: {  	s18 =	sshll.u32 s0, $0xA;
	s2 =	sadd.s32 s3, s2  }
0x5: {  	s2 =	sadd.s32 s2, s18  }
0x6: {  	[smem:$0x3FC6] =	sst s2  }
0x7: {  	_ = 	snop  }
0x8: {  	s2 =	sld [smem:$0x3FD0];
	(tm) =	ssettm $0x1  }
0x9: {  	s19 =	sld [smem:$0x3FFB];
	_ =	sdelay $0x3  }
0xa: {  	_ =	strace s19  }
0xb: {  	s3 =	sld [smem:$0x3FFC];
	_ =	sdelay $0x3  }
0xc: {  	_ =	strace s3  }
0xd: {  	s3 =	sld [smem:$0x3FFD];
	_ =	sdelay $0x3  }
0xe: {  	_ =	strace s3  }
0xf: {  	_ =	strace $0x8FFFFFFF  }
0x10: {  	s20 =	sld [smem:$0x3FDB];
	_ =	sdelay $0x1  }
0x11: {  	s4 =	simm.s32 $_scs_section_size  }
0x12: {  	s5 =	simm.s32 $_size__tile_overlayer_lowered;
	s6 =	simm.s32 $_tile_overlayer_lowered  }
0x13: {  	s23 =	simm.s32 $0x1BFF;
	s22 =	sshll.u32 s6, $0x1;
	s3 =	sadd.s32 s4, s20  }
0x14: {  	s7 =	simm.s32 $0x0;
	s21 =	sshll.u32 s5, $0x1;
	s5 =	sadd.s32 s22, s3  }
0x15: {  	[timem:s7], [sflag:s23] =	dma.local [hbm:s5], s21  }
0x16: {  	_ =	swait.ge [sflag:s23], s21  }
0x17: {  	s4 =	ssub.s32 $0x0, s21;
	[sflag:s23] =	ssyncset.done $0x0  }
0x18: {  	[sflag:s23] =	ssyncadd.s32 s4;
	_ =	sdelay $0x1  }
0x19: {  	s24 =	simm.s32 $0x1B8B  }
0x1a: {  	_ =	swait.ge [sflag:s24], $0x1  }
0x1b: {  	[sflag:s24] =	ssyncset.done $0x0  }
0x1c: {  	s26 =	simm.s32 $0x1B8E;
	s25 =	sld [smem:$0x3FFE];
	[sflag:s24] =	ssyncadd.s32 $0xFFFFFFFF  }
0x1d: {  	s27 =	simm.s32 $execute0_lowered;
	[smem:$0x3FD2] =	sst s26  }
0x1e: {  	s5 =	sshll.u32 s27, $0x1;
	_ =	strace $0x80000049;
	[dreg:$0x1] =	wrdreg $0xFFFFFFFF  }
0x1f: {  	s28 =	simm.s32 $_size_execute0_lowered;
	s3 =	sadd.s32 s3, s5;
	[dreg:$0x0] =	wrdreg $0x0  }
0x20: {  	s5 =	sshll.u32 s28, $0x1;
	[dreg:$0x2] =	wrdreg s3  }
0x21: {  	[dreg:$0x3] =	wrdreg s5  }
0x22: {  	[dreg:$0x4] =	wrdreg $0xC0  }
0x23: {  	_ =	task [dreg:s7], $0x5FFFF  }
0x24: {  	[dreg:$0x1] =	wrdreg $0xFFFFFFFF  }
0x25: {  	[dreg:$0x0] =	wrdreg $0x60  }
0x26: {  	[dreg:$0x2] =	wrdreg s25  }
0x27: {  	[dreg:$0x3] =	wrdreg s2  }
0x28: {  	[dreg:$0x4] =	wrdreg $0x9  }
0x29: {  	_ =	task.clear_ibuf [dreg:s7], $0x5FFFF;
	_ =	strace $0x90000049  }
0x2a: {  	s29 =	simm.s32 $0x9;
	_ =	strace $0x8000004B  }
0x2b: {  	_ =	swait.ge [sflag:s29], $0x1  }
0x2c: {  	[sflag:s29] =	ssyncadd.s32 $0xFFFFFFFF  }
0x2d: {  	_ =	strace $0x9000004B  }
0x2e: {  	_ =	sfence  }
0x2f: {  	s30 =	sld [smem:$0x0];
	_ =	sdelay $0x2  }
0x30: {  	s31 =	sshll.u32 s1, $0xD;
	s1 =	sshrl.u32 s1, $0x2  }
0x31: {  	s3 =	sand.u32 $0x4000, s31;
	s1 =	sadd.s32 s1, s30  }
0x32: {  	s0 =	sor.u32 s3, s0;
	s1 =	sshll.u32 s1, $0x11  }
0x33: {  	s0 =	sor.u32 s1, s0  }
0x34: {  	s0 =	sadd.s32 $0x8F2B, s0  }
0x35: {  	[sflag:s0] =	ssyncadd.remote.s32 $0x1  }
0x36: {  	_ =	sfence.sel $0xFFFF  }
0x37: {  	[dreg:$0x0] =	wrdreg $0xFFFFFFFF;
	(pc) =	sbr.abs _section_cstart, $3  }
0x38: {  	[dreg:$0x1] =	wrdreg $0xFFFFFFFF  }
0x39: {  	_ =	task.clear_ibuf [dreg:s7], $0x2FFFF;
	_ =	strace $0x9FFFFFFF  }
0x3a: {  	(tm) =	ssettm $0x7FFFFFFF  }
0x3b: {  	_ =	shalt  }
tec
execute0_lowered:
.L_overlay_start_1:
0x0: {  	(tag) =	ssettag $0x1  }
0x1: {  	s0 =	stileid.u32;
	s6 =	rddreg [dreg:$0x0]  }
0x2: {  	s2 =	rddreg [dreg:$0x1];
	s5 =	srdreg.scid  }
0x3: {  	s31 =	simm.s32 $0x2;
	s13 =	simm.s32 $0x0;
	s1 =	sshll.u32 s0, $0x7  }
0x4: {  	s14 =	simm.s32 $0x0;
	s12 =	simm.s32 $0x0;
	s3 =	sand.u32 $0x380, s1  }
0x5: {  	s5 =	sshll.u32 s5, $0x4;
	s6 =	sadd.s32 $0xA00, s6;
	s4 =	ssub.s32 $0x400, s3  }
0x6: {  	s1 =	rddreg [dreg:$0x2];
	_ =	strace $0x8000004A;
	s7 =	sand.u32 $0x380, s4  }
0x7: {  	s5 =	sand.u32 $0x10, s5;
	p0 =	sne.s32 s7, $0x0;
	s7 =	simm.s32 $0x1  }
.Ltmp0:
0x8: {  	s8 =	sshrl.u32 s4, $0xA;
	s7 =	simm.s32 @!p0 $0x0;
	(pc) =	sbr.rel .LBB1_1-.Ltmp0, $4  }
0x9: {  	s9 =	sor.u32 s0, s5;
	s4 =	simm.s32 $0x1;
	s30 =	sadd.s32 s7, s8  }
0xa: {  	s11 =	smov.u32 s3;
	[sflag:s4] =	ssyncpa.u1 $0x0;
	s5 =	smul.u32 $0x32, s30  }
0xb: {  	[sflag:s31] =	ssyncpa.u1 $0x0;
	p0 =	por $0x0, $0x0;
	s7 =	sshrl.u32 s9, $0x3  }
0xc: {  	s9 =	simm.s32 $0x2000;
	s10 =	smov.u32 s7;
	s8 =	sor.u32 $0x1, s5  }
.LBB1_4:
0xd: {  	s17 =	sand.u32 $0x1F80, s14;
	s13 =	sshll.u32 s13, $0xD  }
0xe: {  	[tilespmem:s16+$0x810 ss:$0x81] =	vst.msk $0xffff, v2;
	s18 =	sshrl.u32 s14, $0x3;
	s31 =	sand.u32 $0x7, s14;
	s17 =	sadd.s32 s2, s17  }
0xf: {  	[tilespmem:s16+$0x1020 ss:$0x81] =	vst.msk $0xffff, v0;
	s18 =	sand.u32 $0xF, s18;
	s14 =	sshll.u32 s31, $0x12;
	s13 =	sadd.s32 s13, s17  }
0x10: {  	[tilespmem:s16+$0x0 ss:$0x81] =	vst.msk $0xffff, v1;
	s14 =	sor.u32 $0x400, s14;
	s13 =	sadd.s32 s18, s13  }
0x11: {  	[hbm4b:s13+s14] =	stream.strided.scatter [tilespmem:s15], [sflag:$0x2], $0x2000, s9, s14, $0x20;
	[tilespmem:$0x8080] =	vst v63  }
.LBB1_5:
0x12: {  	s15 =	sadd.s32 $0x4, s10  }
0x13: {  	s13 =	sadd.s32 $0x400, s11;
	s17 =	smov.u32 s11;
	p2 =	sgt.s32 s15, $0xC7  }
0x14: {  	s17 =	smov.u32 @p2 s13  }
0x15: {  	s15 =	smov.u32 @p2 s7;
	p2 =	sgt.s32 s17, $0x3FF  }
0x16: {  	s17 =	smov.u32 @p2 s3;
	p2 =	sne.s32 s12, s8  }
.Ltmp1:
0x17: {  	p1 =	slt.u32 s12, $0x2;
	(pc) =	sbr.rel @!p2 .LBB1_6-.Ltmp1, $4  }
0x18: {  	s16 =	simm.s32 @!p1 $0x2  }
0x19: {  	s14 =	smov.u32 s11;
	p0 =	por !p0, !p0;
	_ =	swait.ge @!p1 [sflag:s16], $0x2000  }
0x1a: {  	s13 =	smov.u32 s10;
	[sflag:s16] =	ssyncset.done @!p1 $0x0;
	s10 =	smov.u32 s15  }
0x1b: {  	s12 =	sadd.s32 $0x1, s12;
	[sflag:s16] =	ssyncadd.s32 @!p1 $0xFFFFE000;
	s11 =	smov.u32 s17  }
.LBB1_1:
0x1c: {  	p1 =	sge.u32 s12, s5  }
0x1d: {  	s15 =	sand.u32 @!p1 $0x1FFFFFF, s10  }
0x1e: {  	s16 =	smulhi.u32 @!p1 $0x147AE15, s15;
	_ =	sdelay $0x1  }
0x1f: {  	s16 =	smul.u32 @!p1 $0xC8, s16  }
0x20: {  	s17 =	sxor.u32 @!p1 $0xFFFFFFFF, s12;
	s18 =	smul.u32 @!p1 $0xC80, s11  }
0x21: {  	s31 =	sadd.s32 $0xFFFFFFFF, s12;
	s17 =	sshll.u32 @!p1 s17, $0xD;
	s15 =	ssub.s32 @!p1 s15, s16  }
0x22: {  	s16 =	sand.u32 @!p1 $0x2000, s17;
	s17 =	sadd.s32 @!p1 s6, s18;
	s15 =	sshll.u32 @!p1 s15, $0x4  }
0x23: {  	s18 =	simm.s32 @!p1 $0x6400;
	s15 =	sadd.s32 @!p1 s15, s17;
	s17 =	simm.s32 @!p1 $0x40  }
0x24: {  	[tilespmem:s16], [sflag:$0x1] =	stream.strided.gather @!p1 [hbm4b:s15+s17], $0x2000, s18, s17, $0x38;
	[tilespmem:$0x8080] =	vst v63  }
0x25: {  	p1 =	sge.u32 s31, s5  }
.Ltmp2:
0x26: {  	_ = 	snop;
	(pc) =	sbr.rel @p1 .LBB1_5-.Ltmp2, $1  }
0x27: {  	_ =	sdelay $0x3  }
0x28: {  	s15 =	simm.s32 $0x1  }
0x29: {  	_ =	swait.ge [sflag:s4], $0x2000;
	s15 =	simm.s32 @!p0 $0x0  }
0x2a: {  	[sflag:s4] =	ssyncset.done $0x0;
	s16 =	sshll.u32 s15, $0xD  }
0x2b: {  	[sflag:s4] =	ssyncadd.s32 $0xFFFFE000;
	s19 =	sor.u32 $0x20, s16  }
0x2c: {  	s15 =	smul.u32 $0x8100, s15;
	v3 =	vld [tilespmem:s19+$0x10]  }
0x2d: {  	s30 =	sand.u32 $0x1, s12;
	v2 =	vld [tilespmem:s19+$0xFFFFFFF0]  }
0x2e: {  	s16 =	smul.u32 $0x8100, s30;
	s15 =	sshrl.u32 s15, $0x2;
	v0 =	vld [tilespmem:s19+$0x0]  }
0x2f: {  	v1 =	vld [tilespmem:s19+$0xFFFFFFE0];
	s17 =	sor.u32 $0x4000, s15  }
0x30: {  	s31 =	sshrl.u32 s16, $0x2;
	s16 =	sadd.s32 $0x0, s17  }
0x31: {  	s18 =	simm.s32 $0x4;
	s19 =	sadd.s32 $0x40, s19;
	s15 =	sor.u32 $0x4000, s31;
	[tilespmem:s16+$0x1830 ss:$0x81] =	vst.msk $0xffff, v3  }
.LBB1_3:
0x32: {  	v3 =	vld [tilespmem:s19+$0x10];
	p1 =	sne.s32 s18, $0x1FC;
	[tilespmem:s16+$0x810 ss:$0x81] =	vst.msk $0xffff, v2;
	s20 =	smov.u32 s18;
	s18 =	sadd.s32 $0x4, s18  }
.Ltmp3:
0x33: {  	v2 =	vld [tilespmem:s19+$0xFFFFFFF0];
	[tilespmem:s16+$0x1020 ss:$0x81] =	vst.msk $0xffff, v0;
	(pc) =	sbr.rel @p1 .LBB1_3-.Ltmp3, $4  }
0x34: {  	v0 =	vld [tilespmem:s19+$0x0];
	[tilespmem:s16+$0x0 ss:$0x81] =	vst.msk $0xffff, v1  }
0x35: {  	s16 =	sshra.s32 s20, $0x2;
	v1 =	vld [tilespmem:s19+$0xFFFFFFE0]  }
0x36: {  	s16 =	sadd.s32 s16, s17  }
0x37: {  	s19 =	sadd.s32 $0x40, s19;
	[tilespmem:s16+$0x1830 ss:$0x81] =	vst.msk $0xffff, v3  }
.Ltmp4:
0x38: {  	_ = 	snop;
	(pc) =	sbr.rel .LBB1_4-.Ltmp4, $1  }
0x39: {  	_ =	sdelay $0x3  }
.LBB1_6:
0x3a: {  	_ =	sfence.sel $0x180000  }
0x3b: {  	s2 =	simm.s32 $0x1;
	[bflag:$0x0] =	sbarrier.arrive $0xFFFF  }
0x3c: {  	s31 =	simm.s32 $0x2;
	[sflag:s2] =	ssyncpa.u1 $0x1  }
0x3d: {  	[sflag:s31] =	ssyncpa.u1 $0x1  }
0x3e: {  	p0 =	sne.s32 s0, $0x0;
	_ =	strace $0x9000004A  }
0x3f: {  	s0 =	sadd.s32 @!p0 $0x100000, s1;
	[bflag:$0x2] =	sbarrier.arrive $0xFFFF  }
0x40: {  	[sflag:s0] =	ssyncadd.tile.s32 @!p0 $0x1;
	_ =	shalt  }
.Lfunc_end1:
_tile_overlayer_lowered:
.L_overlay_start_2:
0x41: {  	(tag) =	ssettag $0x2  }
0x42: {  	s0 =	rddreg [dreg:$0x0];
	s2 =	stileid.u32  }
0x43: {  	s1 =	rddreg [dreg:$0x1];
	p0 =	sne.s32 s2, $0x0  }
0x44: {  	s3 =	rddreg [dreg:$0x2];
	[bflag:$0x3] =	sbarrier.arrive $0xFFFF;
	s2 =	simm.s32 @!p0 $0x1C01  }
0x45: {  	[timem:s3], [sflag:s2] =	dma.local @!p0 [hbm:s0], s1  }
0x46: {  	s0 =	simm.s32 @!p0 $0x1  }
0x47: {  	_ =	swait.ge @!p0 [sflag:s0], s1  }
0x48: {  	s1 =	ssub.s32 @!p0 $0x0, s1;
	[sflag:s0] =	ssyncset.done @!p0 $0x0  }
0x49: {  	[sflag:s0] =	ssyncadd.s32 @!p0 s1  }
0x4a: {  	[bflag:$0x3] =	sbarrier.arrive $0xFFFF  }
0x4b: {  	_ =	shalt  }

</sc_bundles>
